<compile_context>
chip_gen: v7x
topology: tpu7x:2x2x1
jax: 0.10.2.dev20260603
libtpu: 0.0.44.dev20260713+nightly
codegen_flags: <defaults>
</compile_context>

<pallas_src>
import functools

import jax
import jax.numpy as jnp
from jax import lax
from jax.experimental import pallas as pl
from jax.experimental.pallas import tpu as pltpu
from jax.experimental.pallas import tpu_sc as plsc

_CHUNK = 128
_NSUB = 16
_BN = 1024
_SPMEM_WORDS = 1_700_000
_SC_LEVEL = -1
_DO_SCATTER = _SC_LEVEL >= 3


def _round_up(x, m):
    return (x + m - 1) // m * m


def _sc_probe(src):
    mesh = plsc.VectorSubcoreMesh(core_axis_name="c", subcore_axis_name="s",
                                  num_cores=2, num_subcores=_NSUB)

    @functools.partial(
        pl.kernel,
        out_type=jax.ShapeDtypeStruct((32 * 128,), jnp.int32),
        mesh=mesh,
        scratch_types=[pltpu.VMEM((128,), jnp.int32)],
    )
    def k(src_ref, out_ref, buf_v):
        c = lax.axis_index("c")
        s = lax.axis_index("s")
        wid = s * 2 + c
        base = wid * 128
        pltpu.sync_copy(src_ref.at[pl.ds(base, 128)], buf_v)
        pltpu.sync_copy(buf_v, out_ref.at[pl.ds(base, 128)])

    return k(src)


def _sc_agg(h1, h2, src, dst):
    N_pad, W = h1.shape
    E_pad = src.shape[0]
    e_per_sub = E_pad // _NSUB
    n_chunks = e_per_sub // _CHUNK
    rows_per_sub = N_pad // _NSUB
    cw = max(d for d in range(1, 513) if rows_per_sub % d == 0)
    n_rowchunks = rows_per_sub // cw
    zeros = jnp.zeros((cw, W), jnp.float32)

    mesh = plsc.VectorSubcoreMesh(core_axis_name="c", subcore_axis_name="s",
                                  num_cores=2, num_subcores=_NSUB)

    @functools.partial(
        pl.kernel,
        out_type=(jax.ShapeDtypeStruct((N_pad, W), jnp.float32),
                  jax.ShapeDtypeStruct((N_pad, W), jnp.float32)),
        mesh=mesh,
        scratch_types=[
            pltpu.VMEM((_CHUNK,), jnp.int32),
            pltpu.VMEM((_CHUNK,), jnp.int32),
            pltpu.VMEM((_CHUNK, W), jnp.float32),
            pltpu.VMEM((cw, W), jnp.float32),
            pltpu.VMEM_SHARED((N_pad, W), jnp.float32),
            pltpu.SemaphoreType.DMA,
        ],
        compiler_params=pltpu.CompilerParams(use_tc_tiling_on_sc=False),
    )
    def k(h1_ref, h2_ref, src_ref, dst_ref, z_ref, agg1_ref, agg2_ref,
          src_v, dst_v, rows_v, stage_v, acc, sem):
        c = lax.axis_index("c")
        s = lax.axis_index("s")
        zbase = s * rows_per_sub
        pltpu.sync_copy(z_ref, stage_v)

        def zbody(i, carry):
            pltpu.sync_copy(stage_v, acc.at[pl.ds(zbase + i * cw, cw)])
            return carry

        lax.fori_loop(0, n_rowchunks, zbody, 0)
        plsc.subcore_barrier()
        ebase = s * e_per_sub

        def body(i, carry):
            off = pl.multiple_of(ebase + i * _CHUNK, _CHUNK)
            pltpu.sync_copy(src_ref.at[pl.ds(off, _CHUNK)], src_v)
            pltpu.sync_copy(dst_ref.at[pl.ds(off, _CHUNK)], dst_v)

            if _SC_LEVEL >= 2:
                @pl.when(c == 0)
                def _():
                    pltpu.async_copy(h1_ref.at[src_v], rows_v, sem).wait()

                @pl.when(c == 1)
                def _():
                    pltpu.async_copy(h2_ref.at[src_v], rows_v, sem).wait()

            if _DO_SCATTER:
                pltpu.sync_copy(rows_v, acc.at[dst_v], add=True)
            return carry

        if _SC_LEVEL >= 1:
            lax.fori_loop(0, n_chunks, body, 0)
        plsc.subcore_barrier()

        def wbody(i, carry):
            off = zbase + i * cw
            pltpu.sync_copy(acc.at[pl.ds(off, cw)], stage_v)

            @pl.when(c == 0)
            def _():
                pltpu.sync_copy(stage_v, agg1_ref.at[pl.ds(off, cw)])

            @pl.when(c == 1)
            def _():
                pltpu.sync_copy(stage_v, agg2_ref.at[pl.ds(off, cw)])

            return carry

        lax.fori_loop(0, n_rowchunks, wbody, 0)

    return k(h1, h2, src, dst, zeros)


def _tc_layer(core_in, aggs, deg, ws, wn, b, Wc, n_hn, with_ones, do_prev):
    N_pad, di = core_in.shape
    do = ws.shape[1]
    P = n_hn * Wc
    wn_pad = jnp.pad(wn, ((0, 0), (0, P - do)))
    n_aggs = len(aggs)
    Wp = aggs[0].shape[1] if aggs else 0

    def body(*refs):
        if n_aggs:
            hs_ref = refs[0]
            agg_refs = refs[1:1 + n_aggs]
            deg_ref = refs[1 + n_aggs]
            w_off = 2 + n_aggs
            cat = jnp.concatenate([r[...] for r in agg_refs], axis=1)
            xb = jnp.maximum(
                hs_ref[...] + cat[:, :do_prev] / jnp.maximum(deg_ref[...], 1.0),
                0.0)
        else:
            xb = refs[0][...]
            w_off = 1
        ws_ref, wn_ref, b_ref = refs[w_off:w_off + 3]
        out_refs = refs[w_off + 3:]
        hs_out = out_refs[0]
        hn_outs = out_refs[1:]
        hs_out[...] = (jnp.dot(xb, ws_ref[...],
                               preferred_element_type=jnp.float32)
                       + b_ref[...])
        hn = jnp.dot(xb, wn_ref[...], preferred_element_type=jnp.float32)
        for j, r in enumerate(hn_outs):
            blk = hn[:, j * Wc:(j + 1) * Wc]
            if with_ones and j == n_hn - 1:
                blk = jnp.concatenate(
                    [blk[:, :Wc - 1], jnp.ones((_BN, 1), jnp.float32)],
                    axis=1)
            r[...] = blk

    in_specs = []
    operands = []
    if n_aggs:
        in_specs.append(pl.BlockSpec((_BN, do_prev), lambda i: (i, 0)))
        operands.append(core_in)
        for a in aggs:
            in_specs.append(pl.BlockSpec((_BN, Wp), lambda i: (i, 0)))
            operands.append(a)
        in_specs.append(pl.BlockSpec((_BN, 1), lambda i: (i, 0)))
        operands.append(deg)
    else:
        in_specs.append(pl.BlockSpec((_BN, di), lambda i: (i, 0)))
        operands.append(core_in)
    in_specs += [
        pl.BlockSpec((di, do), lambda i: (0, 0)),
        pl.BlockSpec((di, P), lambda i: (0, 0)),
        pl.BlockSpec((1, do), lambda i: (0, 0)),
    ]
    operands += [ws, wn_pad, b.reshape(1, -1)]

    out_specs = [pl.BlockSpec((_BN, do), lambda i: (i, 0))]
    out_shape = [jax.ShapeDtypeStruct((N_pad, do), jnp.float32)]
    for _ in range(n_hn):
        out_specs.append(pl.BlockSpec((_BN, Wc), lambda i: (i, 0)))
        out_shape.append(jax.ShapeDtypeStruct((N_pad, Wc), jnp.float32))

    res = pl.pallas_call(
        body,
        grid=(N_pad // _BN,),
        in_specs=in_specs,
        out_specs=out_specs,
        out_shape=out_shape,
    )(*operands)
    return res[0], list(res[1:])


def _tc_pool(hs_prev, aggs, deg, wg, bg, n_real, do_prev):
    N_pad = hs_prev.shape[0]
    Wp = aggs[0].shape[1]
    n_aggs = len(aggs)
    n_blocks = N_pad // _BN

    def body(*refs):
        hs_ref = refs[0]
        agg_refs = refs[1:1 + n_aggs]
        deg_ref = refs[1 + n_aggs]
        wg_ref, bg_ref = refs[2 + n_aggs:4 + n_aggs]
        out_ref = refs[4 + n_aggs]
        m_ref, s_ref = refs[5 + n_aggs:]
        i = pl.program_id(0)

        @pl.when(i == 0)
        def _():
            m_ref[0, 0] = -1e30
            s_ref[0, 0] = 0.0
            out_ref[...] = jnp.zeros_like(out_ref)

        cat = jnp.concatenate([r[...] for r in agg_refs], axis=1)
        xb = jnp.maximum(
            hs_ref[...] + cat[:, :do_prev] / jnp.maximum(deg_ref[...], 1.0),
            0.0)
        g = (jnp.dot(xb, wg_ref[...], preferred_element_type=jnp.float32)
             + bg_ref[...])
        rows = i * _BN + lax.broadcasted_iota(jnp.int32, (_BN, 1), 0)
        g = jnp.where(rows < n_real, g, -1e30)
        m_old = m_ref[0, 0]
        m_new = jnp.maximum(m_old, jnp.max(g))
        cfac = jnp.exp(m_old - m_new)
        p = jnp.exp(g - m_new)
        m_ref[0, 0] = m_new
        s_ref[0, 0] = s_ref[0, 0] * cfac + jnp.sum(p)
        out_ref[...] = (out_ref[...] * cfac
                        + jnp.sum(p * xb, axis=0, keepdims=True))

        @pl.when(i == n_blocks - 1)
        def _():
            out_ref[...] = out_ref[...] / s_ref[0, 0]

    in_specs = [pl.BlockSpec((_BN, do_prev), lambda i: (i, 0))]
    for _ in aggs:
        in_specs.append(pl.BlockSpec((_BN, Wp), lambda i: (i, 0)))
    in_specs += [
        pl.BlockSpec((_BN, 1), lambda i: (i, 0)),
        pl.BlockSpec((do_prev, 1), lambda i: (0, 0)),
        pl.BlockSpec((1, 1), lambda i: (0, 0)),
    ]
    return pl.pallas_call(
        body,
        grid=(n_blocks,),
        in_specs=in_specs,
        out_specs=pl.BlockSpec((1, do_prev), lambda i: (0, 0)),
        out_shape=jax.ShapeDtypeStruct((1, do_prev), jnp.float32),
        scratch_shapes=[pltpu.SMEM((1, 1), jnp.float32),
                        pltpu.SMEM((1, 1), jnp.float32)],
    )(hs_prev, *aggs, deg, wg, bg.reshape(1, 1))


def _head(rep_l, rep_p, p):
    res_wl = lax.slice(p['res_w'], (0, 0), (32, 448))
    res_wp = lax.slice(p['res_w'], (100 * 32, 0), (100 * 32 + 32, 448))

    def body(rl, rp, ttw, ttb, rwl, rwp, rb, fiw, fib, fow, fob, out):
        l3 = jnp.dot(rl[...], ttw[...], preferred_element_type=jnp.float32) + ttb[...]
        p3 = jnp.dot(rp[...], ttw[...], preferred_element_type=jnp.float32) + ttb[...]
        h = jnp.maximum(jnp.dot(l3, rwl[...], preferred_element_type=jnp.float32)
                        + jnp.dot(p3, rwp[...], preferred_element_type=jnp.float32)
                        + rb[...], 0.0)
        h = jnp.maximum(jnp.dot(h, fiw[...], preferred_element_type=jnp.float32)
                        + fib[...], 0.0)
        out[...] = jnp.dot(h, fow[...], preferred_element_type=jnp.float32) + fob[...]

    return pl.pallas_call(
        body,
        out_shape=jax.ShapeDtypeStruct((1, 1), jnp.float32),
    )(rep_l, rep_p, p['tt_w'], p['tt_b'].reshape(1, -1), res_wl, res_wp,
      p['res_b'].reshape(1, -1), p['fcin_w'], p['fcin_b'].reshape(1, -1),
      p['fcout_w'], p['fcout_b'].reshape(1, -1))


def _layer_plan(N_pad, do, with_ones):
    wtot = do + (1 if with_ones else 0)
    n_hn = 2
    while N_pad * _round_up(wtot, n_hn) // n_hn > _SPMEM_WORDS:
        n_hn += 2
    wc = _round_up(wtot, n_hn) // n_hn
    return n_hn, wc


def _branch(x, ei, ws_list, wn_list, b_list, wg, bg):
    N = x.shape[0]
    N_pad = _round_up(N, _BN)
    E = ei.shape[1]
    E_pad = _round_up(E, _NSUB * _CHUNK)
    x_p = jnp.pad(x, ((0, N_pad - N), (0, 0)))
    src = jnp.pad(ei[0], (0, E_pad - E))
    dst = jnp.pad(ei[1], (0, E_pad - E), constant_values=N)

    do = ws_list[0].shape[1]
    n_hn, wc = _layer_plan(N_pad, do, True)
    hs, hn = _tc_layer(x_p, [], None, ws_list[0], wn_list[0], b_list[0],
                       wc, n_hn, True, 0)
    def run_aggs(hn_chunks):
        aggs = []
        for j in range(len(hn_chunks) // 2):
            if _SC_LEVEL <= -2:
                a1 = jnp.zeros((N_pad, hn_chunks[2 * j].shape[1]), jnp.float32)
                a2 = a1
            else:
                a1, a2 = _sc_agg(hn_chunks[2 * j], hn_chunks[2 * j + 1],
                                 src, dst)
            if not _DO_SCATTER:
                a1 = a1 * 0.0 + jax.ops.segment_sum(
                    hn_chunks[2 * j][src], dst, num_segments=N_pad)
                a2 = a2 * 0.0 + jax.ops.segment_sum(
                    hn_chunks[2 * j + 1][src], dst, num_segments=N_pad)
            aggs += [a1, a2]
        return aggs

    aggs = run_aggs(hn)
    deg = lax.slice(aggs[-1], (0, wc - 1), (N_pad, wc))
    do_prev = do
    for i in range(1, 5):
        do = ws_list[i].shape[1]
        n_hn, wc = _layer_plan(N_pad, do, False)
        hs, hn = _tc_layer(hs, aggs, deg, ws_list[i], wn_list[i], b_list[i],
                           wc, n_hn, False, do_prev)
        aggs = run_aggs(hn)
        do_prev = do
    return _tc_pool(hs, aggs, deg, wg, bg, N, do_prev)


def kernel(x_lig, edge_index_lig, x_prot, edge_index_prot, params):
    p = params
    if _SC_LEVEL == -1:
        probe = _sc_probe(edge_index_lig[0, :32 * 128])
        return jnp.sum(probe).astype(jnp.float32).reshape(1, 1)
    rep_l = _branch(
        x_lig, edge_index_lig,
        [p['lig_ws%d' % i] for i in range(5)],
        [p['lig_wn%d' % i] for i in range(5)],
        [p['lig_b%d' % i] for i in range(5)],
        p['gl_w'], p['gl_b'])
    rep_p = _branch(
        x_prot, edge_index_prot,
        [p['prot_ws%d' % i] for i in range(5)],
        [p['prot_wn%d' % i] for i in range(5)],
        [p['prot_b%d' % i] for i in range(5)],
        p['gp_w'], p['gp_b'])
    return _head(rep_l, rep_p, p)

# --- scband reference (transcript-rebuilt; emitter-appended) ---
"""Pipeline reference for scband-dtitag-34196529611172 (READ-ONLY COPY).

The authoritative reference and input builder live on the scoring server;
editing this copy changes nothing except your own understanding.
"""

import jax, jax.numpy as jnp
import numpy as np


def _sage(x, src, dst, ws, wn, b, n):
    # DGL SAGEConv(aggregator_type='mean'): fc_self(x) + fc_neigh(mean_{u->v} x_u)
    agg = jax.ops.segment_sum(x[src], dst, num_segments=n)
    deg = jax.ops.segment_sum(jnp.ones((dst.shape[0],), x.dtype), dst, num_segments=n)
    mean = agg / jnp.maximum(deg, 1.0)[:, None]
    return x @ ws + mean @ wn + b


def _gap(x, wg, bg):
    # DGL GlobalAttentionPooling with a single graph: softmax gate over nodes, weighted sum
    gate = jax.nn.softmax(x @ wg + bg, axis=0)
    return jnp.sum(gate * x, axis=0)


def setup_inputs(seed: int = 0):
    key = jax.random.key(seed)

    def nrm(i, shape, scale=0.05):
        return jax.random.normal(jax.random.fold_in(key, i), shape, jnp.float32) * scale

    N_lig, E_lig, N_prot, E_prot = 50000, 800000, 100000, 1600000
    x_lig = nrm(0, (N_lig, 74), 1.0)
    x_prot = nrm(1, (N_prot, 31), 1.0)
    ei_lig = jax.random.randint(jax.random.fold_in(key, 2), (2, E_lig), 0, N_lig, dtype=jnp.int32)
    ei_prot = jax.random.randint(jax.random.fold_in(key, 3), (2, E_prot), 0, N_prot, dtype=jnp.int32)

    params = {}
    idx = 10
    lig_dims = [(74, 70), (70, 65), (65, 60), (60, 55), (55, 31)]
    for i, (di, do) in enumerate(lig_dims):
        params['lig_ws%d' % i] = nrm(idx, (di, do)); idx += 1
        params['lig_wn%d' % i] = nrm(idx, (di, do)); idx += 1
        params['lig_b%d' % i] = jnp.zeros((do,), jnp.float32)
    for i in range(5):
        params['prot_ws%d' % i] = nrm(idx, (31, 31)); idx += 1
        params['prot_wn%d' % i] = nrm(idx, (31, 31)); idx += 1
        params['prot_b%d' % i] = jnp.zeros((31,), jnp.float32)
    params['gl_w'] = nrm(idx, (31, 1)); idx += 1
    params['gl_b'] = jnp.zeros((1,), jnp.float32)
    params['gp_w'] = nrm(idx, (31, 1)); idx += 1
    params['gp_b'] = jnp.zeros((1,), jnp.float32)
    params['tt_w'] = nrm(idx, (31, 32)); idx += 1
    params['tt_b'] = jnp.zeros((32,), jnp.float32)
    params['res_w'] = nrm(idx, (224 * 32, 448)); idx += 1
    params['res_b'] = jnp.zeros((448,), jnp.float32)
    params['fcin_w'] = nrm(idx, (448, 4340)); idx += 1
    params['fcin_b'] = jnp.zeros((4340,), jnp.float32)
    params['fcout_w'] = nrm(idx, (4340, 1)); idx += 1
    params['fcout_b'] = jnp.zeros((1,), jnp.float32)

    return {'x_lig': x_lig, 'edge_index_lig': ei_lig, 'x_prot': x_prot,
            'edge_index_prot': ei_prot, 'params': params}


def reference(x_lig, edge_index_lig, x_prot, edge_index_prot, params):
    src_l, dst_l = edge_index_lig[0], edge_index_lig[1]
    src_p, dst_p = edge_index_prot[0], edge_index_prot[1]
    n_lig, n_prot = x_lig.shape[0], x_prot.shape[0]

    fs = x_lig
    for i in range(5):
        fs = jax.nn.relu(_sage(fs, src_l, dst_l, params['lig_ws%d' % i],
                               params['lig_wn%d' % i], params['lig_b%d' % i], n_lig))
    fp = x_prot
    for i in range(5):
        fp = jax.nn.relu(_sage(fp, src_p, dst_p, params['prot_ws%d' % i],
                               params['prot_wn%d' % i], params['prot_b%d' % i], n_prot))

    protein_rep = _gap(fp, params['gp_w'], params['gp_b']).reshape(1, 31)
    ligand_rep = _gap(fs, params['gl_w'], params['gl_b']).reshape(1, 31)

    p3 = protein_rep @ params['tt_w'] + params['tt_b']  # [1, 32]
    l3 = ligand_rep @ params['tt_w'] + params['tt_b']   # [1, 32]

    p3 = jnp.pad(p3, ((0, 100 - p3.shape[0]), (0, 0))).reshape(1, 100, 32)
    l3 = jnp.pad(l3, ((0, 131 - l3.shape[1]), (0, 0))).reshape(1, 100, 32)

    seq = jnp.concatenate([l3, p3], axis=1)               # (1, 200, 32)
    seq = jnp.pad(seq, ((0, 0), (0, 224 - seq.shape[1]), (0, 0)))  # (1, 224, 32)
    seq = seq.reshape(1, 1, 224, 32)

    # ResnetEncoderTiny(1) (definition not provided): full-receptive-field projection to 448 feats
    flat = seq.reshape(1, 224 * 32)
    out448 = jax.nn.relu(flat @ params['res_w'] + params['res_b'])  # (1, 448)

    out = out448.reshape(1, 448)
    out = jax.nn.relu(out @ params['fcin_w'] + params['fcin_b'])
    out = out @ params['fcout_w'] + params['fcout_b']
    return out

if __name__ == "__main__":
    import jax
    _d = setup_inputs()
    print(jax.jit(kernel)(*tuple(_d.values())))

</pallas_src>

<mosaic_0001>
#map = affine_map<(d0, d1) -> (0)>
module attributes {stable_mosaic.version = 14 : i64} {
  func.func @k(%arg0: i32, %arg1: i32, %arg2: memref<4096xi32, #tpu.memory_space<hbm>>, %arg3: memref<4096xi32, #tpu.memory_space<hbm>>, %arg4: memref<128xi32, #tpu.memory_space<vmem>>) attributes {dimension_semantics = [#tpu.dimension_semantics<core_parallel>, #tpu.dimension_semantics<subcore_parallel>], iteration_bounds = array<i64: 2, 16>, scalar_prefetch = 0 : i64, scratch_operands = 1 : i64, tpu.core_type = #tpu.core_type<sc_vector_subcore>, window_params = [{transform_indices = #map}, {transform_indices = #map}]} {
    %mul3A = arith.constant 2 : i32
    %mul3A_0 = arith.muli %arg1, %mul3A : i32
    %add3A = arith.addi %mul3A_0, %arg0 : i32
    %mul3A_1 = arith.constant 128 : i32
    %mul3A_2 = arith.muli %add3A, %mul3A_1 : i32
    "tpu.region"() ({
      %run_scoped3A = tpu.sem_alloc : memref<!tpu.dma_semaphore, #tpu.memory_space<semaphore_mem>>
      %dma_start3A = tpu.memref_slice %arg2[%mul3A_2] : memref<4096xi32, #tpu.memory_space<hbm>> -> memref<128xi32, #tpu.memory_space<hbm>>
      %dma_start3A_3 = tpu.memref_slice %arg2[%mul3A_2] : memref<4096xi32, #tpu.memory_space<hbm>> -> memref<128xi32, #tpu.memory_space<hbm>>
      tpu.enqueue_dma source(%dma_start3A_3 : memref<128xi32, #tpu.memory_space<hbm>>) target(%arg4 : memref<128xi32, #tpu.memory_space<vmem>>) target_semaphore(%run_scoped3A : memref<!tpu.dma_semaphore, #tpu.memory_space<semaphore_mem>>)
      %dma_wait3A = tpu.memref_slice %arg2[%mul3A_2] : memref<4096xi32, #tpu.memory_space<hbm>> -> memref<128xi32, #tpu.memory_space<hbm>>
      %dma_wait3A_4 = tpu.memref_slice %arg2[%mul3A_2] : memref<4096xi32, #tpu.memory_space<hbm>> -> memref<128xi32, #tpu.memory_space<hbm>>
      tpu.wait_dma2 semaphore(%run_scoped3A : memref<!tpu.dma_semaphore, #tpu.memory_space<semaphore_mem>>) src(%dma_wait3A_4 : memref<128xi32, #tpu.memory_space<hbm>>) dst(%arg4 : memref<128xi32, #tpu.memory_space<vmem>>)
      tpu.yield
    }) : () -> ()
    "tpu.region"() ({
      %run_scoped3A = tpu.sem_alloc : memref<!tpu.dma_semaphore, #tpu.memory_space<semaphore_mem>>
      %dma_start3A = tpu.memref_slice %arg3[%mul3A_2] : memref<4096xi32, #tpu.memory_space<hbm>> -> memref<128xi32, #tpu.memory_space<hbm>>
      %dma_start3A_3 = tpu.memref_slice %arg3[%mul3A_2] : memref<4096xi32, #tpu.memory_space<hbm>> -> memref<128xi32, #tpu.memory_space<hbm>>
      tpu.enqueue_dma source(%arg4 : memref<128xi32, #tpu.memory_space<vmem>>) target(%dma_start3A_3 : memref<128xi32, #tpu.memory_space<hbm>>) target_semaphore(%run_scoped3A : memref<!tpu.dma_semaphore, #tpu.memory_space<semaphore_mem>>)
      %dma_wait3A = tpu.memref_slice %arg3[%mul3A_2] : memref<4096xi32, #tpu.memory_space<hbm>> -> memref<128xi32, #tpu.memory_space<hbm>>
      %dma_wait3A_4 = tpu.memref_slice %arg3[%mul3A_2] : memref<4096xi32, #tpu.memory_space<hbm>> -> memref<128xi32, #tpu.memory_space<hbm>>
      tpu.wait_dma2 semaphore(%run_scoped3A : memref<!tpu.dma_semaphore, #tpu.memory_space<semaphore_mem>>) src(%arg4 : memref<128xi32, #tpu.memory_space<vmem>>) dst(%dma_wait3A_4 : memref<128xi32, #tpu.memory_space<hbm>>)
      tpu.yield
    }) : () -> ()
    return
  }
}

</mosaic_0001>

<sc_bundles>
// kernel: kernel.3.cloned.1.call-start
scs
__scs_entry_jumppad:
0x0: {  	(pc) =	sbr.rel $0x88, $3  }
0x1: {  	(tag) =	ssettag $0x0;
	lr =	simm.s32 $0x1  }
0x2: {  	[smem:$0x3FA0] =	sst lr;
	_ =	strace $0xD0000000  }
0x3: {  	_ = 	snop  }
0x4: {  	_ = 	snop  }
0x5: {  	_ = 	snop  }
0x6: {  	_ = 	snop  }
0x7: {  	_ = 	snop  }
__scs_overlays_trampoline_lowered:
0x8: {  	[smem:$0x3FAF] =	sst s0  }
0x9: {  	[smem:$0x3FB0] =	sst s1  }
0xa: {  	[smem:$0x3FB1] =	sst s2  }
0xb: {  	[smem:$0x3FB2] =	sst s3  }
0xc: {  	[smem:$0x3FB3] =	sst s4  }
0xd: {  	[smem:$0x3FB4] =	sst s5  }
0xe: {  	[smem:$0x3FB5] =	sst s6  }
0xf: {  	[smem:$0x3FB6] =	sst s7  }
0x10: {  	[smem:$0x3FB7] =	sst s8  }
0x11: {  	[smem:$0x3FB8] =	sst s9;
	s0 =	simm.s32 @!p0 $0x0  }
0x12: {  	s1 =	sld [smem:$0x3F9E];
	s0 =	simm.s32 @p0 $0x1  }
0x13: {  	[smem:$0x3FB9] =	sst s0;
	s0 =	simm.s32 @!p1 $0x0  }
0x14: {  	s2 =	sld [smem:$0x3F9D];
	s0 =	simm.s32 @p1 $0x1  }
0x15: {  	[smem:$0x3FBA] =	sst s0;
	s0 =	simm.s32 @!p2 $0x0  }
0x16: {  	s3 =	sld [smem:$0x3FDB];
	s0 =	simm.s32 @p2 $0x1  }
0x17: {  	s4 =	simm.s32 $0x1BF5;
	[smem:$0x3FBC] =	sst s0  }
0x18: {  	s0 =	sld [smem:$0x3F9F];
	_ =	swait.ge [sflag:s4], $0x0  }
0x19: {  	s7 =	sld [smem:$0x3FA0]  }
0x1a: {  	s8 =	sadd.s32 $0xFFFFE003, lr  }
0x1b: {  	s9 =	sadd.s32 $0xFFFFFEF7, lr;
	s5 =	simm.s32 $0xFFFFFFFF;
	p2 =	slt.u32 s8, $0xFFFFF086  }
0x1c: {  	p1 =	slt.u32 s9, $0xF7A;
	s5 =	simm.s32 @!p2 $0x0  }
0x1d: {  	s5 =	simm.s32 @p1 $0x1;
	p0 =	seq.s32 s7, s2  }
0x1e: {  	s7 =	smul.u32 @!p0 $0xF7A, s2;
	p2 =	seq.s32 @!p0 s5, $0x0  }
0x1f: {  	s9 =	smul.u32 $0xF7A, s1;
	s8 =	simm.s32 @!p0 $0x1BF5;
	p2 =	por !p2, p0  }
0x20: {  	[sflag:s8] =	ssyncset.s32 @!p0 $0xFFFFF086;
	s6 =	sadd.s32 @!p0 s3, s7;
	s7 =	simm.s32 @!p0 $0x108  }
0x21: {  	s3 =	sadd.s32 s3, s9;
	s6 =	sadd.s32 @!p0 $0x88, s6;
	s7 =	simm.s32 @p2 $0x1082  }
0x22: {  	[simem:s7], [sflag:s8] =	dma.local @!p0 [hbm:s6], $0xF7A  }
0x23: {  	s9 =	sor.u32 $0xD0000000, s2;
	s6 =	simm.s32 $0x108;
	_ =	swait.ge @!p0 [sflag:s8], $0x0  }
0x24: {  	s3 =	sadd.s32 $0x88, s3;
	s6 =	simm.s32 @!p1 $0x1082;
	[sflag:s4] =	ssyncset.s32 $0xFFFFF086  }
0x25: {  	[simem:s6], [sflag:s4] =	dma.local [hbm:s3], $0xF7A  }
0x26: {  	[smem:$0x3FA0] =	sst s1;
	(tag) =	ssettag s2;
	_ =	strace s9  }
0x27: {  	s1 =	sld [smem:$0x3FB0]  }
0x28: {  	s2 =	sld [smem:$0x3FB1]  }
0x29: {  	s4 =	sld [smem:$0x3FB3]  }
0x2a: {  	p0 =	seq.s32 s5, $0x0;
	s5 =	sld [smem:$0x3FB4]  }
0x2b: {  	s6 =	sld [smem:$0x3FB5]  }
0x2c: {  	s7 =	sld [smem:$0x3FB6]  }
0x2d: {  	s3 =	simm.s32 $0x108;
	s8 =	sld [smem:$0x3FB7]  }
0x2e: {  	s3 =	simm.s32 @!p0 $0x1082;
	s9 =	sld [smem:$0x3FB8]  }
0x2f: {  	lr =	sadd.s32 s0, s3;
	s0 =	sld [smem:$0x3FAF]  }
0x30: {  	s3 =	sld [smem:$0x3FB2]  }
0x31: {  	[smem:$0x3FBB] =	sst s10  }
0x32: {  	s10 =	sld [smem:$0x3FB9];
	_ =	sdelay $0x3  }
0x33: {  	p0 =	seq.s32 s10, $0x1;
	s10 =	sld [smem:$0x3FBB];
	_ =	sdelay $0x3  }
0x34: {  	[smem:$0x3FBB] =	sst s10  }
0x35: {  	s10 =	sld [smem:$0x3FBA];
	_ =	sdelay $0x3  }
0x36: {  	p1 =	seq.s32 s10, $0x1;
	s10 =	sld [smem:$0x3FBB];
	_ =	sdelay $0x3  }
0x37: {  	[smem:$0x3FBB] =	sst s10  }
0x38: {  	s10 =	sld [smem:$0x3FBC]  }
0x39: {  	_ = 	snop;
	(pc) =	sbr.ind lr, $3  }
0x3a: {  	_ = 	snop  }
0x3b: {  	_ = 	snop  }
0x3c: {  	p2 =	seq.s32 s10, $0x1;
	s10 =	sld [smem:$0x3FBB]  }
0x3d: {  	_ =	shalt  }
0x3e: {  	_ =	shalt  }
0x3f: {  	_ =	shalt  }
0x40: {  	_ =	shalt  }
0x41: {  	_ =	shalt  }
0x42: {  	_ =	shalt  }
0x43: {  	_ =	shalt  }
0x44: {  	_ =	shalt  }
0x45: {  	_ =	shalt  }
0x46: {  	_ =	shalt  }
0x47: {  	_ =	shalt  }
0x48: {  	_ =	shalt  }
0x49: {  	_ =	shalt  }
0x4a: {  	_ =	shalt  }
0x4b: {  	_ =	shalt  }
0x4c: {  	_ =	shalt  }
0x4d: {  	_ =	shalt  }
0x4e: {  	_ =	shalt  }
0x4f: {  	_ =	shalt  }
0x50: {  	_ =	shalt  }
0x51: {  	_ =	shalt  }
0x52: {  	_ =	shalt  }
0x53: {  	_ =	shalt  }
0x54: {  	_ =	shalt  }
0x55: {  	_ =	shalt  }
0x56: {  	_ =	shalt  }
0x57: {  	_ =	shalt  }
0x58: {  	_ =	shalt  }
0x59: {  	_ =	shalt  }
0x5a: {  	_ =	shalt  }
0x5b: {  	_ =	shalt  }
0x5c: {  	_ =	shalt  }
0x5d: {  	_ =	shalt  }
0x5e: {  	_ =	shalt  }
0x5f: {  	_ =	shalt  }
0x60: {  	_ =	shalt  }
0x61: {  	_ =	shalt  }
0x62: {  	_ =	shalt  }
0x63: {  	_ =	shalt  }
0x64: {  	_ =	shalt  }
0x65: {  	_ =	shalt  }
0x66: {  	_ =	shalt  }
0x67: {  	_ =	shalt  }
0x68: {  	_ =	shalt  }
0x69: {  	_ =	shalt  }
0x6a: {  	_ =	shalt  }
0x6b: {  	_ =	shalt  }
0x6c: {  	_ =	shalt  }
0x6d: {  	_ =	shalt  }
0x6e: {  	_ =	shalt  }
0x6f: {  	_ =	shalt  }
0x70: {  	_ =	shalt  }
0x71: {  	_ =	shalt  }
0x72: {  	_ =	shalt  }
0x73: {  	_ =	shalt  }
0x74: {  	_ =	shalt  }
0x75: {  	_ =	shalt  }
0x76: {  	_ =	shalt  }
0x77: {  	_ =	shalt  }
0x78: {  	_ =	shalt  }
0x79: {  	_ =	shalt  }
0x7a: {  	_ =	shalt  }
0x7b: {  	_ =	shalt  }
0x7c: {  	_ =	shalt  }
0x7d: {  	_ =	shalt  }
0x7e: {  	_ =	shalt  }
0x7f: {  	_ =	shalt  }
0x80: {  	_ =	shalt  }
0x81: {  	_ =	shalt  }
0x82: {  	_ =	shalt  }
0x83: {  	_ =	shalt  }
0x84: {  	_ =	shalt  }
0x85: {  	_ =	shalt  }
0x86: {  	_ =	shalt  }
0x87: {  	_ =	shalt  }
.Lfunc_end0:
.L_simem_size_0:
called_computation_lowered:
.L_overlay_start_0:
0x88: {  	s2 =	sld [smem:$0x3FD9]  }
0x89: {  	s3 =	sld [smem:$0x3FFE];
	_ =	sdelay $0x1  }
0x8a: {  	s1 =	srdreg.scid  }
0x8b: {  	s0 =	sand.u32 $0x1, s1  }
0x8c: {  	s16 =	sshll.u32 s0, $0xA;
	s2 =	sadd.s32 s3, s2  }
0x8d: {  	s2 =	sadd.s32 s2, s16  }
0x8e: {  	[smem:$0x3FC7] =	sst s2  }
0x8f: {  	_ = 	snop  }
0x90: {  	(tm) =	ssettm $0x1  }
0x91: {  	s17 =	sld [smem:$0x3FFB];
	_ =	sdelay $0x3  }
0x92: {  	_ =	strace s17  }
0x93: {  	s2 =	sld [smem:$0x3FFC];
	_ =	sdelay $0x3  }
0x94: {  	_ =	strace s2  }
0x95: {  	s2 =	sld [smem:$0x3FFD];
	_ =	sdelay $0x3  }
0x96: {  	_ =	strace s2  }
0x97: {  	_ =	strace $0x8FFFFFFF  }
0x98: {  	s18 =	sld [smem:$0x3FDB];
	_ =	sdelay $0x1  }
0x99: {  	s19 =	simm.s32 $_scs_section_size  }
0x9a: {  	s4 =	simm.s32 $_size__tile_overlayer_lowered;
	s5 =	simm.s32 $_tile_overlayer_lowered  }
0x9b: {  	s22 =	simm.s32 $0x1BFF;
	s21 =	sshll.u32 s5, $0x1;
	s2 =	sadd.s32 s19, s18  }
0x9c: {  	s6 =	simm.s32 $0x0;
	s20 =	sshll.u32 s4, $0x1;
	s4 =	sadd.s32 s21, s2  }
0x9d: {  	[timem:s6], [sflag:s22] =	dma.local [hbm:s4], s20  }
0x9e: {  	_ =	swait.ge [sflag:s22], s20  }
0x9f: {  	s3 =	ssub.s32 $0x0, s20;
	[sflag:s22] =	ssyncset.done $0x0  }
0xa0: {  	[sflag:s22] =	ssyncadd.s32 s3;
	_ =	sdelay $0x1  }
0xa1: {  	s23 =	simm.s32 $0x1B8B  }
0xa2: {  	_ =	swait.ge [sflag:s23], $0x1  }
0xa3: {  	[sflag:s23] =	ssyncset.done $0x0  }
0xa4: {  	s25 =	simm.s32 $0x1B8E;
	s24 =	sld [smem:$0x3FFE];
	[sflag:s23] =	ssyncadd.s32 $0xFFFFFFFF  }
0xa5: {  	s26 =	simm.s32 $execute0_lowered;
	[smem:$0x3FD2] =	sst s25  }
0xa6: {  	s4 =	sshll.u32 s26, $0x1;
	_ =	strace $0x80000046;
	[dreg:$0x1] =	wrdreg $0xFFFFFFFF  }
0xa7: {  	s28 =	simm.s32 $_size_execute0_lowered;
	s2 =	sadd.s32 s2, s4;
	[dreg:$0x0] =	wrdreg $0x0  }
0xa8: {  	s4 =	sshll.u32 s28, $0x1;
	[dreg:$0x2] =	wrdreg s2  }
0xa9: {  	[dreg:$0x3] =	wrdreg s4  }
0xaa: {  	[dreg:$0x4] =	wrdreg $0xC0  }
0xab: {  	_ =	task [dreg:s6], $0x5FFFF  }
0xac: {  	[dreg:$0x1] =	wrdreg $0xFFFFFFFF  }
0xad: {  	[dreg:$0x0] =	wrdreg $0x60  }
0xae: {  	[dreg:$0x2] =	wrdreg s24  }
0xaf: {  	[dreg:$0x3] =	wrdreg $0x9  }
0xb0: {  	_ =	task.clear_ibuf [dreg:s6], $0x4FFFF;
	_ =	strace $0x90000046  }
0xb1: {  	s29 =	simm.s32 $0x9;
	_ =	strace $0x80000048  }
0xb2: {  	_ =	swait.ge [sflag:s29], $0x1  }
0xb3: {  	[sflag:s29] =	ssyncadd.s32 $0xFFFFFFFF  }
0xb4: {  	_ =	strace $0x90000048  }
0xb5: {  	_ =	sfence  }
0xb6: {  	s30 =	sld [smem:$0x0];
	_ =	sdelay $0x2  }
0xb7: {  	s31 =	sshll.u32 s1, $0xD;
	s1 =	sshrl.u32 s1, $0x2  }
0xb8: {  	s3 =	sand.u32 $0x4000, s31;
	s1 =	sadd.s32 s1, s30  }
0xb9: {  	s0 =	sor.u32 s3, s0;
	s1 =	sshll.u32 s1, $0x11  }
0xba: {  	s0 =	sor.u32 s1, s0  }
0xbb: {  	s0 =	sadd.s32 $0x8F2B, s0  }
0xbc: {  	[sflag:s0] =	ssyncadd.remote.s32 $0x1  }
0xbd: {  	_ =	sfence.sel $0xFFFF  }
0xbe: {  	[dreg:$0x0] =	wrdreg $0xFFFFFFFF;
	(pc) =	sbr.abs _section_cstart, $3  }
0xbf: {  	[dreg:$0x1] =	wrdreg $0xFFFFFFFF  }
0xc0: {  	_ =	task.clear_ibuf [dreg:s6], $0x2FFFF;
	_ =	strace $0x9FFFFFFF  }
0xc1: {  	(tm) =	ssettm $0x7FFFFFFF  }
tec
execute0_lowered:
.L_overlay_start_1:
0x0: {  	(tag) =	ssettag $0x1  }
0x1: {  	s3 =	rddreg [dreg:$0x0]  }
0x2: {  	s0 =	rddreg [dreg:$0x1];
	s4 =	srdreg.scid  }
0x3: {  	s2 =	simm.s32 $0x0;
	s1 =	stileid.u32;
	s4 =	sand.u32 $0x1, s4  }
0x4: {  	s5 =	sshll.u32 s1, $0x5;
	s6 =	sshll.u32 s4, $0x4;
	s30 =	ssub.s32 $0x2, s4  }
0x5: {  	[smem:$0x7FF] =	sst s2;
	s5 =	sor.u32 s6, s5;
	s31 =	sshrl.u32 s30, $0x1  }
0x6: {  	_ =	strace $0x80000047;
	s4 =	sadd.s32 s3, s5;
	s6 =	ssub.s32 s30, s31  }
0x7: {  	[tilespmem:s2], [sflag:$0x1] =	stream.linear.gather [hbm4b:s4+s2], $0x80, $0x38;
	[tilespmem:$0x80] =	vst v63  }
0x8: {  	s3 =	simm.s32 $0x1;
	s6 =	smax.u32 s6, $0x1  }
0x9: {  	_ =	swait.ge [sflag:s3], $0x80;
	p0 =	sne.s32 s6, $0x1  }
.Ltmp0:
0xa: {  	[sflag:s3] =	ssyncset.done $0x0;
	(pc) =	sbr.rel @!p0 .LBB2_2-.Ltmp0, $4  }
0xb: {  	s5 =	sadd.s32 $0x200, s4;
	[sflag:s3] =	ssyncadd.s32 $0xFFFFFF80  }
0xc: {  	[hbm4b:s5+s2] =	stream.linear.scatter [tilespmem:s2], [sflag:$0x1], $0x80, $0x38;
	[tilespmem:$0x80] =	vst v63  }
0xd: {  	_ =	swait.ge [sflag:s3], $0x80  }
0xe: {  	s6 =	sadd.s32 $0xFFFFFFFF, s6;
	[sflag:s3] =	ssyncset.done $0x0  }
.LBB2_1:
0xf: {  	p0 =	sne.s32 s6, $0x1;
	s6 =	sadd.s32 $0xFFFFFFFF, s6;
	[sflag:s3] =	ssyncadd.s32 $0xFFFFFF80  }
0x10: {  	[tilespmem:s2], [sflag:$0x1] =	stream.linear.gather [hbm4b:s4+s2], $0x80, $0x38;
	[tilespmem:$0x80] =	vst v63  }
0x11: {  	_ =	swait.ge [sflag:s3], $0x80  }
.Ltmp1:
0x12: {  	[sflag:s3] =	ssyncset.done $0x0;
	(pc) =	sbr.rel @p0 .LBB2_1-.Ltmp1, $4  }
0x13: {  	[sflag:s3] =	ssyncadd.s32 $0xFFFFFF80  }
0x14: {  	[hbm4b:s5+s2] =	stream.linear.scatter [tilespmem:s2], [sflag:$0x1], $0x80, $0x38;
	[tilespmem:$0x80] =	vst v63  }
0x15: {  	_ =	swait.ge [sflag:s3], $0x80  }
0x16: {  	[sflag:s3] =	ssyncset.done $0x0  }
.LBB2_2:
0x17: {  	[sflag:s3] =	ssyncadd.s32 $0xFFFFFF80  }
0x18: {  	_ =	sfence.sel $0x180000  }
0x19: {  	[bflag:$0x0] =	sbarrier.arrive $0xFFFF  }
0x1a: {  	p0 =	sne.s32 s1, $0x0;
	_ =	strace $0x90000047  }
0x1b: {  	s0 =	sadd.s32 @!p0 $0x100000, s0;
	[bflag:$0x2] =	sbarrier.arrive $0xFFFF  }
0x1c: {  	[sflag:s0] =	ssyncadd.tile.s32 @!p0 $0x1;
	_ =	shalt  }
.Lfunc_end2:
_tile_overlayer_lowered:
.L_overlay_start_2:
0x1d: {  	(tag) =	ssettag $0x2  }
0x1e: {  	s0 =	rddreg [dreg:$0x0];
	s2 =	stileid.u32  }
0x1f: {  	s1 =	rddreg [dreg:$0x1];
	p0 =	sne.s32 s2, $0x0  }
0x20: {  	s3 =	rddreg [dreg:$0x2];
	[bflag:$0x3] =	sbarrier.arrive $0xFFFF;
	s2 =	simm.s32 @!p0 $0x1C01  }
0x21: {  	[timem:s3], [sflag:s2] =	dma.local @!p0 [hbm:s0], s1  }
0x22: {  	s0 =	simm.s32 @!p0 $0x1  }
0x23: {  	_ =	swait.ge @!p0 [sflag:s0], s1  }
0x24: {  	s1 =	ssub.s32 @!p0 $0x0, s1;
	[sflag:s0] =	ssyncset.done @!p0 $0x0  }
0x25: {  	[sflag:s0] =	ssyncadd.s32 @!p0 s1  }
0x26: {  	[bflag:$0x3] =	sbarrier.arrive $0xFFFF  }
0x27: {  	_ =	shalt  }

</sc_bundles>
